<compile_context>
chip_gen: v7x
topology: tpu7x:2x2x1
jax: 0.10.2.dev20260603
libtpu: 0.0.44.dev20260713+nightly
codegen_flags: <defaults>
</compile_context>

<pallas_src>
import functools
import jax
import jax.numpy as jnp
from jax import lax
from jax.experimental import pallas as pl
from jax.experimental.pallas import tpu as pltpu
from jax.experimental.pallas import tpu_sc as plsc

_N = 20000
_LANES = 128
_ROWS = 160
_NP = _ROWS * _LANES
_PRE = 4096
_CROWS = _PRE // _LANES
_POST = 512
_IOU_THRESH = 0.7
_NEG = -1e30
_BIG_I = (1 << 30) - 1

_NT = 32
_EPT = _NP // _NT
_IROWS = _EPT // 128


def _prefix_exclusive(m):
    la = lax.broadcasted_iota(jnp.int32, (_LANES, _LANES), 0)
    lb = lax.broadcasted_iota(jnp.int32, (_LANES, _LANES), 1)
    upper = (la <= lb).astype(jnp.float32)
    csum = jnp.dot(m, upper, preferred_element_type=jnp.float32)
    rowtot = csum[:, _LANES - 1:_LANES]
    ra = lax.broadcasted_iota(jnp.int32, (_ROWS, _ROWS), 0)
    rb = lax.broadcasted_iota(jnp.int32, (_ROWS, _ROWS), 1)
    lstrict = (rb < ra).astype(jnp.float32)
    blockoff = jnp.dot(lstrict, rowtot, preferred_element_type=jnp.float32)
    return blockoff + csum - m


def _include_kernel(sc_ref, inc_ref):
    sc = sc_ref[...]
    keys = lax.bitcast_convert_type(sc, jnp.int32)

    def bs_body(_, lohi):
        lo, hi = lohi
        mid = lo + (hi - lo) // 2
        cnt = jnp.sum((keys >= mid).astype(jnp.int32))
        ge = cnt >= _PRE
        return (jnp.where(ge, mid, lo), jnp.where(ge, hi, mid))

    lo, _ = lax.fori_loop(0, 31, bs_body, (jnp.int32(0), jnp.int32(1 << 30)))
    c_gt = jnp.sum((keys > lo).astype(jnp.int32))
    r = (_PRE - c_gt).astype(jnp.float32)

    eqf = (keys == lo).astype(jnp.float32)
    pe = _prefix_exclusive(eqf)
    incf = (keys > lo).astype(jnp.float32) + eqf * (pe < r).astype(jnp.float32)
    pos = _prefix_exclusive(incf).astype(jnp.int32)
    inc_ref[...] = jnp.where(incf > 0, pos, _PRE)


def _compute_include(sc_plane):
    return pl.pallas_call(
        _include_kernel,
        out_shape=jax.ShapeDtypeStruct((_ROWS, _LANES), jnp.int32),
    )(sc_plane)


def _sc_scatter_body(tgt_hbm, table_hbm, out_hbm, tgt_v, rows_v, sem):
    wid = lax.axis_index("c") * 16 + lax.axis_index("s")
    pltpu.sync_copy(tgt_hbm.at[pl.ds(wid * _IROWS, _IROWS), :], tgt_v)
    pltpu.sync_copy(table_hbm.at[pl.ds(wid * _EPT, _EPT)], rows_v)
    scatters = [
        pltpu.async_copy(rows_v.at[pl.ds(i * 128, 128)],
                         out_hbm.at[tgt_v.at[i]], sem)
        for i in range(_IROWS)
    ]
    for sc_ in scatters:
        sc_.wait()


def _sc_compact(tgt_plane, table):
    kfn = pl.kernel(
        _sc_scatter_body,
        out_type=jax.ShapeDtypeStruct((_PRE + 1, 8), jnp.float32),
        mesh=plsc.VectorSubcoreMesh(core_axis_name="c", subcore_axis_name="s"),
        compiler_params=pltpu.CompilerParams(use_tc_tiling_on_sc=False),
        scratch_types=[
            pltpu.VMEM((_IROWS, 128), jnp.int32),
            pltpu.VMEM((_EPT, 8), jnp.float32),
            pltpu.SemaphoreType.DMA,
        ],
    )
    return kfn(tgt_plane, table)


def _nms4k_kernel(bi_ref, x1_ref, y1_ref, x2_ref, y2_ref, sc_ref, out_ref):
    x1 = x1_ref[...]
    y1 = y1_ref[...]
    x2 = x2_ref[...]
    y2 = y2_ref[...]
    work0 = sc_ref[...]
    giota = (lax.broadcasted_iota(jnp.int32, (_CROWS, _LANES), 0) * _LANES
             + lax.broadcasted_iota(jnp.int32, (_CROWS, _LANES), 1))
    area = (x2 - x1) * (y2 - y1)
    lane = lax.broadcasted_iota(jnp.int32, (1, _LANES), 1)
    lane4 = lax.broadcasted_iota(jnp.int32, (4, _LANES), 1)

    def step(i, st):
        work, fb, fsc = st
        m = jnp.max(work, axis=(0, 1), keepdims=True)
        j = jnp.min(jnp.where(work == m, giota, _BIG_I))
        row = j // _LANES
        lj = j - row * _LANES
        quad = bi_ref[pl.ds(row * 4, 4), :]
        ext = jnp.max(jnp.where(lane4 == lj, quad, _NEG),
                      axis=1, keepdims=True)

        is_first = i == 0
        fb = jnp.where(is_first, ext, fb)
        fsc = jnp.where(is_first, m, fsc)

        bx1 = ext[0:1, :]
        by1 = ext[1:2, :]
        bx2 = ext[2:3, :]
        by2 = ext[3:4, :]
        ix1 = jnp.maximum(bx1, x1)
        iy1 = jnp.maximum(by1, y1)
        ix2 = jnp.minimum(bx2, x2)
        iy2 = jnp.minimum(by2, y2)
        iw = jnp.maximum(ix2 - ix1, 0.0)
        ih = jnp.maximum(iy2 - iy1, 0.0)
        inter = iw * ih
        barea = (bx2 - bx1) * (by2 - by1)
        union = barea + area - inter
        iou = inter / jnp.maximum(union, 1e-8)
        suppress = (iou > _IOU_THRESH) | (giota == j)
        work = jnp.where(suppress, _NEG, work)

        is_deg = m == _NEG
        outb = jnp.where(is_deg, fb, ext)
        osc = jnp.where(is_deg, fsc, m)

        rowv = jnp.where(lane == 0, outb[0:1, :],
               jnp.where(lane == 1, outb[1:2, :],
               jnp.where(lane == 2, outb[2:3, :],
               jnp.where(lane == 3, outb[3:4, :],
               jnp.where(lane == 4, osc, 0.0)))))
        out_ref[pl.ds(i, 1), :] = rowv
        return (work, fb, fsc)

    fb0 = jnp.zeros((4, 1), jnp.float32)
    fsc0 = jnp.zeros((1, 1), jnp.float32)
    lax.fori_loop(0, _POST, step, (work0, fb0, fsc0))


def _nms4k(binter, planes):
    return pl.pallas_call(
        _nms4k_kernel,
        out_shape=jax.ShapeDtypeStruct((_POST, _LANES), jnp.float32),
    )(binter, planes[0], planes[1], planes[2], planes[3], planes[4])


def kernel(boxes, scores):
    pad = _NP - _N
    scp = jnp.pad(scores, (0, pad), constant_values=-1.0)
    sc_plane = scp.reshape(_ROWS, _LANES)
    table = jnp.concatenate(
        [boxes, scores[:, None], jnp.zeros((_N, 3), jnp.float32)], axis=1)
    table = jnp.pad(table, ((0, pad), (0, 0)))

    tgt = _compute_include(sc_plane)
    cand = _sc_compact(tgt, table)[:_PRE, :5]
    planes = jnp.transpose(cand).reshape(5, _CROWS, _LANES)
    binter = jnp.transpose(planes[:4], (1, 0, 2)).reshape(4 * _CROWS, _LANES)
    out = _nms4k(binter, [planes[i] for i in range(5)])
    return out[:, :5]

# --- scband reference (transcript-rebuilt; emitter-appended) ---
"""Pipeline reference for scband-ro-ihead-template-63831803953812 (READ-ONLY COPY).

The authoritative reference and input builder live on the scoring server;
editing this copy changes nothing except your own understanding.
"""

import jax, jax.numpy as jnp
import numpy as np

N = 20000
PRE = 4096
POST = 512
IOU_THRESH = 0.7


def setup_inputs(seed: int = 0) -> dict:
    key = jax.random.key(seed)
    k1, k2 = jax.random.split(key)
    raw = jax.random.uniform(k1, (N, 4), dtype=jnp.float32)
    # construct valid xyxy boxes from uniform raw values
    x1 = raw[:, 0] * 100.0
    y1 = raw[:, 1] * 100.0
    x2 = x1 + raw[:, 2] * 10.0 + 1.0
    y2 = y1 + raw[:, 3] * 10.0 + 1.0
    boxes = jnp.stack([x1, y1, x2, y2], axis=1)
    scores = jax.random.uniform(k2, (N,), dtype=jnp.float32)
    return {"boxes": boxes, "scores": scores}


def _iou_one_to_many(box, boxes):
    # box: [4], boxes: [M, 4], xyxy format
    ix1 = jnp.maximum(box[0], boxes[:, 0])
    iy1 = jnp.maximum(box[1], boxes[:, 1])
    ix2 = jnp.minimum(box[2], boxes[:, 2])
    iy2 = jnp.minimum(box[3], boxes[:, 3])
    iw = jnp.maximum(ix2 - ix1, 0.0)
    ih = jnp.maximum(iy2 - iy1, 0.0)
    inter = iw * ih
    area1 = (box[2] - box[0]) * (box[3] - box[1])
    area2 = (boxes[:, 2] - boxes[:, 0]) * (boxes[:, 3] - boxes[:, 1])
    union = area1 + area2 - inter
    return inter / jnp.maximum(union, 1e-8)


def _nms_indices(boxes, scores):
    # class_agnostic_nms: top-k pre-filter then greedy NMS, keep up to POST boxes
    top_scores, top_idx = jax.lax.top_k(scores, PRE)
    top_boxes = jnp.take(boxes, top_idx, axis=0)
    neg_inf = jnp.float32(-1e30)

    def body(i, state):
        work, sel = state
        j = jnp.argmax(work).astype(jnp.int32)
        sel = sel.at[i].set(j)
        b = top_boxes[j]
        iou = _iou_one_to_many(b, top_boxes)
        suppress = iou > IOU_THRESH
        work = jnp.where(suppress, neg_inf, work)
        work = work.at[j].set(neg_inf)
        return (work, sel)

    work0 = top_scores
    sel0 = jnp.zeros((POST,), dtype=jnp.int32)
    _, sel = jax.lax.fori_loop(0, POST, body, (work0, sel0))
    keep = jnp.take(top_idx, sel)
    return keep


def reference(boxes, scores):
    keep = _nms_indices(boxes, scores)
    sel_boxes = jnp.take(boxes, keep, axis=0)          # rois: (POST, 4)
    sel_scores = jnp.take(scores, keep)                # roi_scores: (POST,)
    out = jnp.concatenate([sel_boxes, sel_scores[:, None]], axis=1)  # (POST, 5)
    return out

if __name__ == "__main__":
    import jax
    _d = setup_inputs()
    print(jax.jit(kernel)(*tuple(_d.values())))

</pallas_src>

<mosaic_0001>
#map = affine_map<(d0, d1) -> (0, 0)>
module attributes {stable_mosaic.version = 14 : i64} {
  func.func @_sc_scatter_body(%arg0: i32, %arg1: i32, %arg2: memref<160x128xi32, #tpu.memory_space<hbm>>, %arg3: memref<20480x8xf32, #tpu.memory_space<hbm>>, %arg4: memref<4097x8xf32, #tpu.memory_space<hbm>>, %arg5: memref<5x128xi32, #tpu.memory_space<vmem>>, %arg6: memref<640x8xf32, #tpu.memory_space<vmem>>, %arg7: memref<!tpu.dma_semaphore, #tpu.memory_space<semaphore_mem>>) attributes {dimension_semantics = [#tpu.dimension_semantics<core_parallel>, #tpu.dimension_semantics<subcore_parallel>], iteration_bounds = array<i64: 2, 16>, scalar_prefetch = 0 : i64, scratch_operands = 3 : i64, tpu.core_type = #tpu.core_type<sc_vector_subcore>, window_params = [{transform_indices = #map}, {transform_indices = #map}, {transform_indices = #map}]} {
    %mul3A = arith.constant 16 : i32
    %mul3A_0 = arith.muli %arg0, %mul3A : i32
    %add3A = arith.addi %mul3A_0, %arg1 : i32
    %mul3A_1 = arith.constant 5 : i32
    %mul3A_2 = arith.muli %add3A, %mul3A_1 : i32
    "tpu.region"() ({
      %run_scoped3A = tpu.sem_alloc : memref<!tpu.dma_semaphore, #tpu.memory_space<semaphore_mem>>
      %dma_start3A_103 = arith.constant 0 : i32
      %dma_start3A_104 = tpu.memref_slice %arg2[%mul3A_2, %dma_start3A_103] : memref<160x128xi32, #tpu.memory_space<hbm>> -> memref<5x128xi32, #tpu.memory_space<hbm>>
      %dma_start3A_105 = arith.constant 0 : i32
      %dma_start3A_106 = tpu.memref_slice %arg2[%mul3A_2, %dma_start3A_105] : memref<160x128xi32, #tpu.memory_space<hbm>> -> memref<5x128xi32, #tpu.memory_space<hbm>>
      tpu.enqueue_dma source(%dma_start3A_106 : memref<5x128xi32, #tpu.memory_space<hbm>>) target(%arg5 : memref<5x128xi32, #tpu.memory_space<vmem>>) target_semaphore(%run_scoped3A : memref<!tpu.dma_semaphore, #tpu.memory_space<semaphore_mem>>)
      %dma_wait3A_107 = arith.constant 0 : i32
      %dma_wait3A_108 = tpu.memref_slice %arg2[%mul3A_2, %dma_wait3A_107] : memref<160x128xi32, #tpu.memory_space<hbm>> -> memref<5x128xi32, #tpu.memory_space<hbm>>
      %dma_wait3A_109 = arith.constant 0 : i32
      %dma_wait3A_110 = tpu.memref_slice %arg2[%mul3A_2, %dma_wait3A_109] : memref<160x128xi32, #tpu.memory_space<hbm>> -> memref<5x128xi32, #tpu.memory_space<hbm>>
      tpu.wait_dma2 semaphore(%run_scoped3A : memref<!tpu.dma_semaphore, #tpu.memory_space<semaphore_mem>>) src(%dma_wait3A_110 : memref<5x128xi32, #tpu.memory_space<hbm>>) dst(%arg5 : memref<5x128xi32, #tpu.memory_space<vmem>>)
      tpu.yield
    }) : () -> ()
    %mul3A_3 = arith.constant 640 : i32
    %mul3A_4 = arith.muli %add3A, %mul3A_3 : i32
    "tpu.region"() ({
      %run_scoped3A = tpu.sem_alloc : memref<!tpu.dma_semaphore, #tpu.memory_space<semaphore_mem>>
      %dma_start3A_103 = arith.constant 0 : i32
      %dma_start3A_104 = tpu.memref_slice %arg3[%mul3A_4, %dma_start3A_103] : memref<20480x8xf32, #tpu.memory_space<hbm>> -> memref<640x8xf32, #tpu.memory_space<hbm>>
      %dma_start3A_105 = arith.constant 0 : i32
      %dma_start3A_106 = tpu.memref_slice %arg3[%mul3A_4, %dma_start3A_105] : memref<20480x8xf32, #tpu.memory_space<hbm>> -> memref<640x8xf32, #tpu.memory_space<hbm>>
      tpu.enqueue_dma source(%dma_start3A_106 : memref<640x8xf32, #tpu.memory_space<hbm>>) target(%arg6 : memref<640x8xf32, #tpu.memory_space<vmem>>) target_semaphore(%run_scoped3A : memref<!tpu.dma_semaphore, #tpu.memory_space<semaphore_mem>>)
      %dma_wait3A_107 = arith.constant 0 : i32
      %dma_wait3A_108 = tpu.memref_slice %arg3[%mul3A_4, %dma_wait3A_107] : memref<20480x8xf32, #tpu.memory_space<hbm>> -> memref<640x8xf32, #tpu.memory_space<hbm>>
      %dma_wait3A_109 = arith.constant 0 : i32
      %dma_wait3A_110 = tpu.memref_slice %arg3[%mul3A_4, %dma_wait3A_109] : memref<20480x8xf32, #tpu.memory_space<hbm>> -> memref<640x8xf32, #tpu.memory_space<hbm>>
      tpu.wait_dma2 semaphore(%run_scoped3A : memref<!tpu.dma_semaphore, #tpu.memory_space<semaphore_mem>>) src(%dma_wait3A_110 : memref<640x8xf32, #tpu.memory_space<hbm>>) dst(%arg6 : memref<640x8xf32, #tpu.memory_space<vmem>>)
      tpu.yield
    }) : () -> ()
    %dma_start3A = arith.constant 0 : i32
    %dma_start3A_5 = arith.constant 0 : i32
    %dma_start3A_6 = arith.constant 0 : i32
    %dma_start3A_7 = tpu.memref_slice %arg6[%dma_start3A_5, %dma_start3A_6] : memref<640x8xf32, #tpu.memory_space<vmem>> -> memref<128x8xf32, #tpu.memory_space<vmem>>
    %dma_start3A_8 = arith.constant 0 : i32
    %dma_start3A_9 = tpu.memref_slice %arg5[%dma_start3A, %dma_start3A_8] : memref<5x128xi32, #tpu.memory_space<vmem>> -> memref<1x128xi32, #tpu.memory_space<vmem>>
    %dma_start3A_10 = tpu.memref_squeeze %dma_start3A_9 : memref<1x128xi32, #tpu.memory_space<vmem>> -> memref<128xi32, #tpu.memory_space<vmem>>
    %dma_start3A_11 = arith.constant 0 : i32
    %dma_start3A_12 = arith.constant 0 : i32
    %dma_start3A_13 = tpu.memref_slice %arg4[%dma_start3A_11, %dma_start3A_12] : memref<4097x8xf32, #tpu.memory_space<hbm>> -> memref<4097x8xf32, #tpu.memory_space<hbm>>
    tpu.enqueue_indirect_dma source(%dma_start3A_7 : memref<128x8xf32, #tpu.memory_space<vmem>>) target(%dma_start3A_13 : memref<4097x8xf32, #tpu.memory_space<hbm>>) offsets(%dma_start3A_10 : memref<128xi32, #tpu.memory_space<vmem>>) semaphore(%arg7 : memref<!tpu.dma_semaphore, #tpu.memory_space<semaphore_mem>>)
    %dma_start3A_14 = arith.constant 1 : i32
    %dma_start3A_15 = arith.constant 128 : i32
    %dma_start3A_16 = arith.constant 0 : i32
    %dma_start3A_17 = tpu.memref_slice %arg6[%dma_start3A_15, %dma_start3A_16] : memref<640x8xf32, #tpu.memory_space<vmem>> -> memref<128x8xf32, #tpu.memory_space<vmem>>
    %dma_start3A_18 = arith.constant 0 : i32
    %dma_start3A_19 = tpu.memref_slice %arg5[%dma_start3A_14, %dma_start3A_18] : memref<5x128xi32, #tpu.memory_space<vmem>> -> memref<1x128xi32, #tpu.memory_space<vmem>>
    %dma_start3A_20 = tpu.memref_squeeze %dma_start3A_19 : memref<1x128xi32, #tpu.memory_space<vmem>> -> memref<128xi32, #tpu.memory_space<vmem>>
    %dma_start3A_21 = arith.constant 0 : i32
    %dma_start3A_22 = arith.constant 0 : i32
    %dma_start3A_23 = tpu.memref_slice %arg4[%dma_start3A_21, %dma_start3A_22] : memref<4097x8xf32, #tpu.memory_space<hbm>> -> memref<4097x8xf32, #tpu.memory_space<hbm>>
    tpu.enqueue_indirect_dma source(%dma_start3A_17 : memref<128x8xf32, #tpu.memory_space<vmem>>) target(%dma_start3A_23 : memref<4097x8xf32, #tpu.memory_space<hbm>>) offsets(%dma_start3A_20 : memref<128xi32, #tpu.memory_space<vmem>>) semaphore(%arg7 : memref<!tpu.dma_semaphore, #tpu.memory_space<semaphore_mem>>)
    %dma_start3A_24 = arith.constant 2 : i32
    %dma_start3A_25 = arith.constant 256 : i32
    %dma_start3A_26 = arith.constant 0 : i32
    %dma_start3A_27 = tpu.memref_slice %arg6[%dma_start3A_25, %dma_start3A_26] : memref<640x8xf32, #tpu.memory_space<vmem>> -> memref<128x8xf32, #tpu.memory_space<vmem>>
    %dma_start3A_28 = arith.constant 0 : i32
    %dma_start3A_29 = tpu.memref_slice %arg5[%dma_start3A_24, %dma_start3A_28] : memref<5x128xi32, #tpu.memory_space<vmem>> -> memref<1x128xi32, #tpu.memory_space<vmem>>
    %dma_start3A_30 = tpu.memref_squeeze %dma_start3A_29 : memref<1x128xi32, #tpu.memory_space<vmem>> -> memref<128xi32, #tpu.memory_space<vmem>>
    %dma_start3A_31 = arith.constant 0 : i32
    %dma_start3A_32 = arith.constant 0 : i32
    %dma_start3A_33 = tpu.memref_slice %arg4[%dma_start3A_31, %dma_start3A_32] : memref<4097x8xf32, #tpu.memory_space<hbm>> -> memref<4097x8xf32, #tpu.memory_space<hbm>>
    tpu.enqueue_indirect_dma source(%dma_start3A_27 : memref<128x8xf32, #tpu.memory_space<vmem>>) target(%dma_start3A_33 : memref<4097x8xf32, #tpu.memory_space<hbm>>) offsets(%dma_start3A_30 : memref<128xi32, #tpu.memory_space<vmem>>) semaphore(%arg7 : memref<!tpu.dma_semaphore, #tpu.memory_space<semaphore_mem>>)
    %dma_start3A_34 = arith.constant 3 : i32
    %dma_start3A_35 = arith.constant 384 : i32
    %dma_start3A_36 = arith.constant 0 : i32
    %dma_start3A_37 = tpu.memref_slice %arg6[%dma_start3A_35, %dma_start3A_36] : memref<640x8xf32, #tpu.memory_space<vmem>> -> memref<128x8xf32, #tpu.memory_space<vmem>>
    %dma_start3A_38 = arith.constant 0 : i32
    %dma_start3A_39 = tpu.memref_slice %arg5[%dma_start3A_34, %dma_start3A_38] : memref<5x128xi32, #tpu.memory_space<vmem>> -> memref<1x128xi32, #tpu.memory_space<vmem>>
    %dma_start3A_40 = tpu.memref_squeeze %dma_start3A_39 : memref<1x128xi32, #tpu.memory_space<vmem>> -> memref<128xi32, #tpu.memory_space<vmem>>
    %dma_start3A_41 = arith.constant 0 : i32
    %dma_start3A_42 = arith.constant 0 : i32
    %dma_start3A_43 = tpu.memref_slice %arg4[%dma_start3A_41, %dma_start3A_42] : memref<4097x8xf32, #tpu.memory_space<hbm>> -> memref<4097x8xf32, #tpu.memory_space<hbm>>
    tpu.enqueue_indirect_dma source(%dma_start3A_37 : memref<128x8xf32, #tpu.memory_space<vmem>>) target(%dma_start3A_43 : memref<4097x8xf32, #tpu.memory_space<hbm>>) offsets(%dma_start3A_40 : memref<128xi32, #tpu.memory_space<vmem>>) semaphore(%arg7 : memref<!tpu.dma_semaphore, #tpu.memory_space<semaphore_mem>>)
    %dma_start3A_44 = arith.constant 4 : i32
    %dma_start3A_45 = arith.constant 512 : i32
    %dma_start3A_46 = arith.constant 0 : i32
    %dma_start3A_47 = tpu.memref_slice %arg6[%dma_start3A_45, %dma_start3A_46] : memref<640x8xf32, #tpu.memory_space<vmem>> -> memref<128x8xf32, #tpu.memory_space<vmem>>
    %dma_start3A_48 = arith.constant 0 : i32
    %dma_start3A_49 = tpu.memref_slice %arg5[%dma_start3A_44, %dma_start3A_48] : memref<5x128xi32, #tpu.memory_space<vmem>> -> memref<1x128xi32, #tpu.memory_space<vmem>>
    %dma_start3A_50 = tpu.memref_squeeze %dma_start3A_49 : memref<1x128xi32, #tpu.memory_space<vmem>> -> memref<128xi32, #tpu.memory_space<vmem>>
    %dma_start3A_51 = arith.constant 0 : i32
    %dma_start3A_52 = arith.constant 0 : i32
    %dma_start3A_53 = tpu.memref_slice %arg4[%dma_start3A_51, %dma_start3A_52] : memref<4097x8xf32, #tpu.memory_space<hbm>> -> memref<4097x8xf32, #tpu.memory_space<hbm>>
    tpu.enqueue_indirect_dma source(%dma_start3A_47 : memref<128x8xf32, #tpu.memory_space<vmem>>) target(%dma_start3A_53 : memref<4097x8xf32, #tpu.memory_space<hbm>>) offsets(%dma_start3A_50 : memref<128xi32, #tpu.memory_space<vmem>>) semaphore(%arg7 : memref<!tpu.dma_semaphore, #tpu.memory_space<semaphore_mem>>)
    %dma_wait3A = arith.constant 0 : i32
    %dma_wait3A_54 = arith.constant 0 : i32
    %dma_wait3A_55 = arith.constant 0 : i32
    %dma_wait3A_56 = tpu.memref_slice %arg6[%dma_wait3A_54, %dma_wait3A_55] : memref<640x8xf32, #tpu.memory_space<vmem>> -> memref<128x8xf32, #tpu.memory_space<vmem>>
    %dma_wait3A_57 = arith.constant 0 : i32
    %dma_wait3A_58 = tpu.memref_slice %arg5[%dma_wait3A, %dma_wait3A_57] : memref<5x128xi32, #tpu.memory_space<vmem>> -> memref<1x128xi32, #tpu.memory_space<vmem>>
    %dma_wait3A_59 = tpu.memref_squeeze %dma_wait3A_58 : memref<1x128xi32, #tpu.memory_space<vmem>> -> memref<128xi32, #tpu.memory_space<vmem>>
    %dma_wait3A_60 = arith.constant 0 : i32
    %dma_wait3A_61 = arith.constant 0 : i32
    %dma_wait3A_62 = tpu.memref_slice %arg4[%dma_wait3A_60, %dma_wait3A_61] : memref<4097x8xf32, #tpu.memory_space<hbm>> -> memref<4097x8xf32, #tpu.memory_space<hbm>>
    tpu.wait_indirect_dma semaphore(%arg7 : memref<!tpu.dma_semaphore, #tpu.memory_space<semaphore_mem>>) src(%dma_wait3A_56 : memref<128x8xf32, #tpu.memory_space<vmem>>) dst(%dma_wait3A_62 : memref<4097x8xf32, #tpu.memory_space<hbm>>)
    %dma_wait3A_63 = arith.constant 1 : i32
    %dma_wait3A_64 = arith.constant 128 : i32
    %dma_wait3A_65 = arith.constant 0 : i32
    %dma_wait3A_66 = tpu.memref_slice %arg6[%dma_wait3A_64, %dma_wait3A_65] : memref<640x8xf32, #tpu.memory_space<vmem>> -> memref<128x8xf32, #tpu.memory_space<vmem>>
    %dma_wait3A_67 = arith.constant 0 : i32
    %dma_wait3A_68 = tpu.memref_slice %arg5[%dma_wait3A_63, %dma_wait3A_67] : memref<5x128xi32, #tpu.memory_space<vmem>> -> memref<1x128xi32, #tpu.memory_space<vmem>>
    %dma_wait3A_69 = tpu.memref_squeeze %dma_wait3A_68 : memref<1x128xi32, #tpu.memory_space<vmem>> -> memref<128xi32, #tpu.memory_space<vmem>>
    %dma_wait3A_70 = arith.constant 0 : i32
    %dma_wait3A_71 = arith.constant 0 : i32
    %dma_wait3A_72 = tpu.memref_slice %arg4[%dma_wait3A_70, %dma_wait3A_71] : memref<4097x8xf32, #tpu.memory_space<hbm>> -> memref<4097x8xf32, #tpu.memory_space<hbm>>
    tpu.wait_indirect_dma semaphore(%arg7 : memref<!tpu.dma_semaphore, #tpu.memory_space<semaphore_mem>>) src(%dma_wait3A_66 : memref<128x8xf32, #tpu.memory_space<vmem>>) dst(%dma_wait3A_72 : memref<4097x8xf32, #tpu.memory_space<hbm>>)
    %dma_wait3A_73 = arith.constant 2 : i32
    %dma_wait3A_74 = arith.constant 256 : i32
    %dma_wait3A_75 = arith.constant 0 : i32
    %dma_wait3A_76 = tpu.memref_slice %arg6[%dma_wait3A_74, %dma_wait3A_75] : memref<640x8xf32, #tpu.memory_space<vmem>> -> memref<128x8xf32, #tpu.memory_space<vmem>>
    %dma_wait3A_77 = arith.constant 0 : i32
    %dma_wait3A_78 = tpu.memref_slice %arg5[%dma_wait3A_73, %dma_wait3A_77] : memref<5x128xi32, #tpu.memory_space<vmem>> -> memref<1x128xi32, #tpu.memory_space<vmem>>
    %dma_wait3A_79 = tpu.memref_squeeze %dma_wait3A_78 : memref<1x128xi32, #tpu.memory_space<vmem>> -> memref<128xi32, #tpu.memory_space<vmem>>
    %dma_wait3A_80 = arith.constant 0 : i32
    %dma_wait3A_81 = arith.constant 0 : i32
    %dma_wait3A_82 = tpu.memref_slice %arg4[%dma_wait3A_80, %dma_wait3A_81] : memref<4097x8xf32, #tpu.memory_space<hbm>> -> memref<4097x8xf32, #tpu.memory_space<hbm>>
    tpu.wait_indirect_dma semaphore(%arg7 : memref<!tpu.dma_semaphore, #tpu.memory_space<semaphore_mem>>) src(%dma_wait3A_76 : memref<128x8xf32, #tpu.memory_space<vmem>>) dst(%dma_wait3A_82 : memref<4097x8xf32, #tpu.memory_space<hbm>>)
    %dma_wait3A_83 = arith.constant 3 : i32
    %dma_wait3A_84 = arith.constant 384 : i32
    %dma_wait3A_85 = arith.constant 0 : i32
    %dma_wait3A_86 = tpu.memref_slice %arg6[%dma_wait3A_84, %dma_wait3A_85] : memref<640x8xf32, #tpu.memory_space<vmem>> -> memref<128x8xf32, #tpu.memory_space<vmem>>
    %dma_wait3A_87 = arith.constant 0 : i32
    %dma_wait3A_88 = tpu.memref_slice %arg5[%dma_wait3A_83, %dma_wait3A_87] : memref<5x128xi32, #tpu.memory_space<vmem>> -> memref<1x128xi32, #tpu.memory_space<vmem>>
    %dma_wait3A_89 = tpu.memref_squeeze %dma_wait3A_88 : memref<1x128xi32, #tpu.memory_space<vmem>> -> memref<128xi32, #tpu.memory_space<vmem>>
    %dma_wait3A_90 = arith.constant 0 : i32
    %dma_wait3A_91 = arith.constant 0 : i32
    %dma_wait3A_92 = tpu.memref_slice %arg4[%dma_wait3A_90, %dma_wait3A_91] : memref<4097x8xf32, #tpu.memory_space<hbm>> -> memref<4097x8xf32, #tpu.memory_space<hbm>>
    tpu.wait_indirect_dma semaphore(%arg7 : memref<!tpu.dma_semaphore, #tpu.memory_space<semaphore_mem>>) src(%dma_wait3A_86 : memref<128x8xf32, #tpu.memory_space<vmem>>) dst(%dma_wait3A_92 : memref<4097x8xf32, #tpu.memory_space<hbm>>)
    %dma_wait3A_93 = arith.constant 4 : i32
    %dma_wait3A_94 = arith.constant 512 : i32
    %dma_wait3A_95 = arith.constant 0 : i32
    %dma_wait3A_96 = tpu.memref_slice %arg6[%dma_wait3A_94, %dma_wait3A_95] : memref<640x8xf32, #tpu.memory_space<vmem>> -> memref<128x8xf32, #tpu.memory_space<vmem>>
    %dma_wait3A_97 = arith.constant 0 : i32
    %dma_wait3A_98 = tpu.memref_slice %arg5[%dma_wait3A_93, %dma_wait3A_97] : memref<5x128xi32, #tpu.memory_space<vmem>> -> memref<1x128xi32, #tpu.memory_space<vmem>>
    %dma_wait3A_99 = tpu.memref_squeeze %dma_wait3A_98 : memref<1x128xi32, #tpu.memory_space<vmem>> -> memref<128xi32, #tpu.memory_space<vmem>>
    %dma_wait3A_100 = arith.constant 0 : i32
    %dma_wait3A_101 = arith.constant 0 : i32
    %dma_wait3A_102 = tpu.memref_slice %arg4[%dma_wait3A_100, %dma_wait3A_101] : memref<4097x8xf32, #tpu.memory_space<hbm>> -> memref<4097x8xf32, #tpu.memory_space<hbm>>
    tpu.wait_indirect_dma semaphore(%arg7 : memref<!tpu.dma_semaphore, #tpu.memory_space<semaphore_mem>>) src(%dma_wait3A_96 : memref<128x8xf32, #tpu.memory_space<vmem>>) dst(%dma_wait3A_102 : memref<4097x8xf32, #tpu.memory_space<hbm>>)
    return
  }
}

module attributes {stable_mosaic.version = 14 : i64} {
  func.func @_include_kernel(%arg0: memref<160x128xf32, #tpu.memory_space<vmem>>, %arg1: memref<160x128xi32, #tpu.memory_space<vmem>>) attributes {dimension_semantics = [], scalar_prefetch = 0 : i64, scratch_operands = 0 : i64, tpu.core_type = #tpu.core_type<tc>} {
    %get3A = arith.constant 0 : index
    %get3A_0 = arith.constant 0 : index
    %get3A_1 = vector.load %arg0[%get3A, %get3A_0] : memref<160x128xf32, #tpu.memory_space<vmem>>, vector<160x128xf32>
    %bitcast_convert_type3A = tpu.bitcast %get3A_1 : vector<160x128xf32> -> vector<160x128xi32>
    %scan3A = arith.constant 0 : i32
    %scan3A_2 = arith.constant 1073741824 : i32
    %scan3A_3 = arith.constant 0 : i32
    %scan3A_4 = arith.constant 31 : i32
    %scan3A_5 = arith.addi %scan3A_3, %scan3A_4 : i32
    %scan3A_6 = arith.constant 1 : i32
    %scan3A_7:2 = scf.for %scan3A_63 = %scan3A_3 to %scan3A_5 step %scan3A_6 iter_args(%scan3A_64 = %scan3A, %scan3A_65 = %scan3A_2) -> (i32, i32)  : i32 {
      %sub3A_66 = arith.subi %scan3A_65, %scan3A_64 : i32
      %jit3A_67 = arith.constant 2 : i32
      %div3A = arith.divsi %sub3A_66, %jit3A_67 : i32
      %sign3A = arith.constant 0 : i32
      %sign3A_68 = arith.cmpi sgt, %sub3A_66, %sign3A : i32
      %sign3A_69 = arith.extui %sign3A_68 : i1 to i32
      %sign3A_70 = arith.constant 0 : i32
      %sign3A_71 = arith.cmpi slt, %sub3A_66, %sign3A_70 : i32
      %sign3A_72 = arith.extui %sign3A_71 : i1 to i32
      %sign3A_73 = arith.subi %sign3A_69, %sign3A_72 : i32
      %sign3A_74 = arith.constant 0 : i32
      %sign3A_75 = arith.cmpi sgt, %jit3A_67, %sign3A_74 : i32
      %sign3A_76 = arith.extui %sign3A_75 : i1 to i32
      %sign3A_77 = arith.constant 0 : i32
      %sign3A_78 = arith.cmpi slt, %jit3A_67, %sign3A_77 : i32
      %sign3A_79 = arith.extui %sign3A_78 : i1 to i32
      %sign3A_80 = arith.subi %sign3A_76, %sign3A_79 : i32
      %ne3A = arith.cmpi ne, %sign3A_73, %sign3A_80 : i32
      %rem3A = arith.remsi %sub3A_66, %jit3A_67 : i32
      %ne3A_81 = arith.constant 0 : i32
      %ne3A_82 = arith.cmpi ne, %rem3A, %ne3A_81 : i32
      %and3A = arith.andi %ne3A, %ne3A_82 : i1
      %sub3A_83 = arith.constant 1 : i32
      %sub3A_84 = arith.subi %div3A, %sub3A_83 : i32
      %select_n3A_85 = arith.select %and3A, %sub3A_84, %div3A : i32
      %add3A_86 = arith.addi %scan3A_64, %select_n3A_85 : i32
      %ge3A = vector.broadcast %add3A_86 : i32 to vector<160x128xi32>
      %ge3A_87 = arith.cmpi sge, %bitcast_convert_type3A, %ge3A : vector<160x128xi32>
      %convert_element_type3A_88 = arith.extui %ge3A_87 : vector<160x128xi1> to vector<160x128xi32>
      %reduce_sum3A_89 = vector.shape_cast %convert_element_type3A_88 : vector<160x128xi32> to vector<1x160x128xi32>
      %reduce_sum3A_90 = arith.constant dense<0> : vector<1xi32>
      %reduce_sum3A_91 = vector.multi_reduction <add>, %reduce_sum3A_89, %reduce_sum3A_90 [1, 2] : vector<1x160x128xi32> to vector<1xi32>
      %reduce_sum3A_92 = vector.shape_cast %reduce_sum3A_91 : vector<1xi32> to vector<1x1x1xi32>
      %reduce_sum3A_93 = vector.extract %reduce_sum3A_92[0, 0, 0] : i32 from vector<1x1x1xi32>
      %ge3A_94 = arith.constant 4096 : i32
      %ge3A_95 = arith.cmpi sge, %reduce_sum3A_93, %ge3A_94 : i32
      %select_n3A_96 = arith.select %ge3A_95, %add3A_86, %scan3A_64 : i32
      %select_n3A_97 = arith.select %ge3A_95, %scan3A_65, %add3A_86 : i32
      scf.yield %select_n3A_96, %select_n3A_97 : i32, i32
    }
    %gt3A = vector.broadcast %scan3A_7#0 : i32 to vector<160x128xi32>
    %gt3A_8 = arith.cmpi sgt, %bitcast_convert_type3A, %gt3A : vector<160x128xi32>
    %convert_element_type3A = arith.extui %gt3A_8 : vector<160x128xi1> to vector<160x128xi32>
    %reduce_sum3A = vector.shape_cast %convert_element_type3A : vector<160x128xi32> to vector<1x160x128xi32>
    %reduce_sum3A_9 = arith.constant dense<0> : vector<1xi32>
    %reduce_sum3A_10 = vector.multi_reduction <add>, %reduce_sum3A, %reduce_sum3A_9 [1, 2] : vector<1x160x128xi32> to vector<1xi32>
    %reduce_sum3A_11 = vector.shape_cast %reduce_sum3A_10 : vector<1xi32> to vector<1x1x1xi32>
    %reduce_sum3A_12 = vector.extract %reduce_sum3A_11[0, 0, 0] : i32 from vector<1x1x1xi32>
    %sub3A = arith.constant 4096 : i32
    %sub3A_13 = arith.subi %sub3A, %reduce_sum3A_12 : i32
    %convert_element_type3A_14 = arith.sitofp %sub3A_13 : i32 to f32
    %eq3A = vector.broadcast %scan3A_7#0 : i32 to vector<160x128xi32>
    %eq3A_15 = arith.cmpi eq, %bitcast_convert_type3A, %eq3A : vector<160x128xi32>
    %convert_element_type3A_16 = arith.extui %eq3A_15 : vector<160x128xi1> to vector<160x128xi32>
    %convert_element_type3A_17 = arith.sitofp %convert_element_type3A_16 : vector<160x128xi32> to vector<160x128xf32>
    %iota3A = tpu.iota {dimensions = array<i32: 0>} : vector<128x128xi32>
    %iota3A_18 = tpu.iota {dimensions = array<i32: 1>} : vector<128x128xi32>
    %le3A = arith.cmpi sle, %iota3A, %iota3A_18 : vector<128x128xi32>
    %convert_element_type3A_19 = arith.extui %le3A : vector<128x128xi1> to vector<128x128xi32>
    %convert_element_type3A_20 = arith.sitofp %convert_element_type3A_19 : vector<128x128xi32> to vector<128x128xf32>
    %dot_general3A = arith.constant dense<0.000000e+00> : vector<160x128xf32>
    %dot_general3A_21 = tpu.matmul %convert_element_type3A_17, %convert_element_type3A_20, %dot_general3A {dimension_numbers = #tpu.dot_dimension_numbers<[1], [0], [0], [1], [0, 0, 1, 1], [], []>, transpose_lhs_hint = false} : vector<160x128xf32>, vector<128x128xf32>, vector<160x128xf32> -> vector<160x128xf32>
    %slice3A = vector.extract_strided_slice %dot_general3A_21 {offsets = [0, 127], sizes = [160, 1], strides = [1, 1]} : vector<160x128xf32> to vector<160x1xf32>
    %iota3A_22 = tpu.iota {dimensions = array<i32: 0>} : vector<160x160xi32>
    %iota3A_23 = tpu.iota {dimensions = array<i32: 1>} : vector<160x160xi32>
    %lt3A = arith.cmpi slt, %iota3A_23, %iota3A_22 : vector<160x160xi32>
    %convert_element_type3A_24 = arith.extui %lt3A : vector<160x160xi1> to vector<160x160xi32>
    %convert_element_type3A_25 = arith.sitofp %convert_element_type3A_24 : vector<160x160xi32> to vector<160x160xf32>
    %dot_general3A_26 = arith.constant dense<0.000000e+00> : vector<160x1xf32>
    %dot_general3A_27 = tpu.matmul %convert_element_type3A_25, %slice3A, %dot_general3A_26 {dimension_numbers = #tpu.dot_dimension_numbers<[1], [0], [0], [1], [0, 0, 1, 1], [], []>, transpose_lhs_hint = false} : vector<160x160xf32>, vector<160x1xf32>, vector<160x1xf32> -> vector<160x1xf32>
    %add3A = vector.broadcast %dot_general3A_27 : vector<160x1xf32> to vector<160x128xf32>
    %add3A_28 = arith.addf %add3A, %dot_general3A_21 : vector<160x128xf32>
    %sub3A_29 = arith.subf %add3A_28, %convert_element_type3A_17 : vector<160x128xf32>
    %gt3A_30 = vector.broadcast %scan3A_7#0 : i32 to vector<160x128xi32>
    %gt3A_31 = arith.cmpi sgt, %bitcast_convert_type3A, %gt3A_30 : vector<160x128xi32>
    %convert_element_type3A_32 = arith.extui %gt3A_31 : vector<160x128xi1> to vector<160x128xi32>
    %convert_element_type3A_33 = arith.sitofp %convert_element_type3A_32 : vector<160x128xi32> to vector<160x128xf32>
    %lt3A_34 = vector.broadcast %convert_element_type3A_14 : f32 to vector<160x128xf32>
    %lt3A_35 = arith.cmpf olt, %sub3A_29, %lt3A_34 : vector<160x128xf32>
    %convert_element_type3A_36 = arith.extui %lt3A_35 : vector<160x128xi1> to vector<160x128xi32>
    %convert_element_type3A_37 = arith.sitofp %convert_element_type3A_36 : vector<160x128xi32> to vector<160x128xf32>
    %mul3A = arith.mulf %convert_element_type3A_17, %convert_element_type3A_37 : vector<160x128xf32>
    %add3A_38 = arith.addf %convert_element_type3A_33, %mul3A : vector<160x128xf32>
    %iota3A_39 = tpu.iota {dimensions = array<i32: 0>} : vector<128x128xi32>
    %iota3A_40 = tpu.iota {dimensions = array<i32: 1>} : vector<128x128xi32>
    %le3A_41 = arith.cmpi sle, %iota3A_39, %iota3A_40 : vector<128x128xi32>
    %convert_element_type3A_42 = arith.extui %le3A_41 : vector<128x128xi1> to vector<128x128xi32>
    %convert_element_type3A_43 = arith.sitofp %convert_element_type3A_42 : vector<128x128xi32> to vector<128x128xf32>
    %dot_general3A_44 = arith.constant dense<0.000000e+00> : vector<160x128xf32>
    %dot_general3A_45 = tpu.matmul %add3A_38, %convert_element_type3A_43, %dot_general3A_44 {dimension_numbers = #tpu.dot_dimension_numbers<[1], [0], [0], [1], [0, 0, 1, 1], [], []>, transpose_lhs_hint = false} : vector<160x128xf32>, vector<128x128xf32>, vector<160x128xf32> -> vector<160x128xf32>
    %slice3A_46 = vector.extract_strided_slice %dot_general3A_45 {offsets = [0, 127], sizes = [160, 1], strides = [1, 1]} : vector<160x128xf32> to vector<160x1xf32>
    %iota3A_47 = tpu.iota {dimensions = array<i32: 0>} : vector<160x160xi32>
    %iota3A_48 = tpu.iota {dimensions = array<i32: 1>} : vector<160x160xi32>
    %lt3A_49 = arith.cmpi slt, %iota3A_48, %iota3A_47 : vector<160x160xi32>
    %convert_element_type3A_50 = arith.extui %lt3A_49 : vector<160x160xi1> to vector<160x160xi32>
    %convert_element_type3A_51 = arith.sitofp %convert_element_type3A_50 : vector<160x160xi32> to vector<160x160xf32>
    %dot_general3A_52 = arith.constant dense<0.000000e+00> : vector<160x1xf32>
    %dot_general3A_53 = tpu.matmul %convert_element_type3A_51, %slice3A_46, %dot_general3A_52 {dimension_numbers = #tpu.dot_dimension_numbers<[1], [0], [0], [1], [0, 0, 1, 1], [], []>, transpose_lhs_hint = false} : vector<160x160xf32>, vector<160x1xf32>, vector<160x1xf32> -> vector<160x1xf32>
    %add3A_54 = vector.broadcast %dot_general3A_53 : vector<160x1xf32> to vector<160x128xf32>
    %add3A_55 = arith.addf %add3A_54, %dot_general3A_45 : vector<160x128xf32>
    %sub3A_56 = arith.subf %add3A_55, %add3A_38 : vector<160x128xf32>
    %convert_element_type3A_57 = arith.fptosi %sub3A_56 : vector<160x128xf32> to vector<160x128xi32>
    %gt3A_58 = arith.constant 0.000000e+00 : f32
    %gt3A_59 = vector.broadcast %gt3A_58 : f32 to vector<160x128xf32>
    %gt3A_60 = arith.cmpf ogt, %add3A_38, %gt3A_59 : vector<160x128xf32>
    %jit3A = arith.constant 4096 : i32
    %broadcast_in_dim3A = vector.broadcast %jit3A : i32 to vector<160x128xi32>
    %select_n3A = arith.select %gt3A_60, %convert_element_type3A_57, %broadcast_in_dim3A : vector<160x128xi1>, vector<160x128xi32>
    %swap3A = arith.constant 0 : index
    %swap3A_61 = arith.constant 0 : index
    %swap3A_62 = vector.load %arg1[%swap3A, %swap3A_61] : memref<160x128xi32, #tpu.memory_space<vmem>>, vector<160x128xi32>
    tpu.vector_store %arg1[%swap3A, %swap3A_61], %select_n3A {strides = array<i32>} : memref<160x128xi32, #tpu.memory_space<vmem>>, vector<160x128xi32>,
    return
  }
}

module attributes {stable_mosaic.version = 14 : i64} {
  func.func @_nms4k_kernel(%arg0: memref<128x128xf32, #tpu.memory_space<vmem>>, %arg1: memref<32x128xf32, #tpu.memory_space<vmem>>, %arg2: memref<32x128xf32, #tpu.memory_space<vmem>>, %arg3: memref<32x128xf32, #tpu.memory_space<vmem>>, %arg4: memref<32x128xf32, #tpu.memory_space<vmem>>, %arg5: memref<32x128xf32, #tpu.memory_space<vmem>>, %arg6: memref<512x128xf32, #tpu.memory_space<vmem>>) attributes {dimension_semantics = [], scalar_prefetch = 0 : i64, scratch_operands = 0 : i64, tpu.core_type = #tpu.core_type<tc>} {
    %get3A = arith.constant 0 : index
    %get3A_0 = arith.constant 0 : index
    %get3A_1 = vector.load %arg1[%get3A, %get3A_0] : memref<32x128xf32, #tpu.memory_space<vmem>>, vector<32x128xf32>
    %get3A_2 = arith.constant 0 : index
    %get3A_3 = arith.constant 0 : index
    %get3A_4 = vector.load %arg2[%get3A_2, %get3A_3] : memref<32x128xf32, #tpu.memory_space<vmem>>, vector<32x128xf32>
    %get3A_5 = arith.constant 0 : index
    %get3A_6 = arith.constant 0 : index
    %get3A_7 = vector.load %arg3[%get3A_5, %get3A_6] : memref<32x128xf32, #tpu.memory_space<vmem>>, vector<32x128xf32>
    %get3A_8 = arith.constant 0 : index
    %get3A_9 = arith.constant 0 : index
    %get3A_10 = vector.load %arg4[%get3A_8, %get3A_9] : memref<32x128xf32, #tpu.memory_space<vmem>>, vector<32x128xf32>
    %get3A_11 = arith.constant 0 : index
    %get3A_12 = arith.constant 0 : index
    %get3A_13 = vector.load %arg5[%get3A_11, %get3A_12] : memref<32x128xf32, #tpu.memory_space<vmem>>, vector<32x128xf32>
    %iota3A = tpu.iota {dimensions = array<i32: 0>} : vector<32x128xi32>
    %mul3A = arith.constant 128 : i32
    %mul3A_14 = vector.broadcast %mul3A : i32 to vector<32x128xi32>
    %mul3A_15 = arith.muli %iota3A, %mul3A_14 : vector<32x128xi32>
    %iota3A_16 = tpu.iota {dimensions = array<i32: 1>} : vector<32x128xi32>
    %add3A = arith.addi %mul3A_15, %iota3A_16 : vector<32x128xi32>
    %sub3A = arith.subf %get3A_7, %get3A_1 : vector<32x128xf32>
    %sub3A_17 = arith.subf %get3A_10, %get3A_4 : vector<32x128xf32>
    %mul3A_18 = arith.mulf %sub3A, %sub3A_17 : vector<32x128xf32>
    %iota3A_19 = tpu.iota {dimensions = array<i32: 1>} : vector<1x128xi32>
    %iota3A_20 = tpu.iota {dimensions = array<i32: 1>} : vector<4x128xi32>
    %broadcast_in_dim3A = arith.constant 0.000000e+00 : f32
    %broadcast_in_dim3A_21 = vector.broadcast %broadcast_in_dim3A : f32 to vector<4x1xf32>
    %broadcast_in_dim3A_22 = arith.constant 0.000000e+00 : f32
    %broadcast_in_dim3A_23 = vector.broadcast %broadcast_in_dim3A_22 : f32 to vector<1x1xf32>
    %scan3A = arith.constant 0 : i32
    %scan3A_24 = arith.constant 512 : i32
    %scan3A_25 = arith.addi %scan3A, %scan3A_24 : i32
    %scan3A_26 = arith.constant 1 : i32
    %scan3A_27:3 = scf.for %scan3A_29 = %scan3A to %scan3A_25 step %scan3A_26 iter_args(%scan3A_30 = %get3A_13, %scan3A_31 = %broadcast_in_dim3A_21, %scan3A_32 = %broadcast_in_dim3A_23) -> (vector<32x128xf32>, vector<4x1xf32>, vector<1x1xf32>)  : i32 {
      %reduce_max3A = vector.shape_cast %scan3A_30 : vector<32x128xf32> to vector<1x32x128xf32>
      %reduce_max3A_33 = arith.constant dense<0xFF800000> : vector<1xf32>
      %reduce_max3A_34 = vector.multi_reduction <maximumf>, %reduce_max3A, %reduce_max3A_33 [1, 2] : vector<1x32x128xf32> to vector<1xf32>
      %reduce_max3A_35 = vector.shape_cast %reduce_max3A_34 : vector<1xf32> to vector<1x1x1xf32>
      %reduce_max3A_36 = vector.extract %reduce_max3A_35[0, 0, 0] : f32 from vector<1x1x1xf32>
      %broadcast_in_dim3A_37 = vector.broadcast %reduce_max3A_36 : f32 to vector<1x1xf32>
      %eq3A = vector.broadcast %broadcast_in_dim3A_37 : vector<1x1xf32> to vector<32x128xf32>
      %eq3A_38 = arith.cmpf oeq, %scan3A_30, %eq3A : vector<32x128xf32>
      %jit3A = arith.constant 1073741823 : i32
      %broadcast_in_dim3A_39 = vector.broadcast %jit3A : i32 to vector<32x128xi32>
      %select_n3A = arith.select %eq3A_38, %add3A, %broadcast_in_dim3A_39 : vector<32x128xi1>, vector<32x128xi32>
      %reduce_min3A = vector.shape_cast %select_n3A : vector<32x128xi32> to vector<1x32x128xi32>
      %reduce_min3A_40 = arith.constant dense<2147483647> : vector<1xi32>
      %reduce_min3A_41 = vector.multi_reduction <minsi>, %reduce_min3A, %reduce_min3A_40 [1, 2] : vector<1x32x128xi32> to vector<1xi32>
      %reduce_min3A_42 = vector.shape_cast %reduce_min3A_41 : vector<1xi32> to vector<1x1x1xi32>
      %reduce_min3A_43 = vector.extract %reduce_min3A_42[0, 0, 0] : i32 from vector<1x1x1xi32>
      %jit3A_44 = arith.constant 128 : i32
      %div3A = arith.divsi %reduce_min3A_43, %jit3A_44 : i32
      %sign3A = arith.constant 0 : i32
      %sign3A_45 = arith.cmpi sgt, %reduce_min3A_43, %sign3A : i32
      %sign3A_46 = arith.extui %sign3A_45 : i1 to i32
      %sign3A_47 = arith.constant 0 : i32
      %sign3A_48 = arith.cmpi slt, %reduce_min3A_43, %sign3A_47 : i32
      %sign3A_49 = arith.extui %sign3A_48 : i1 to i32
      %sign3A_50 = arith.subi %sign3A_46, %sign3A_49 : i32
      %sign3A_51 = arith.constant 0 : i32
      %sign3A_52 = arith.cmpi sgt, %jit3A_44, %sign3A_51 : i32
      %sign3A_53 = arith.extui %sign3A_52 : i1 to i32
      %sign3A_54 = arith.constant 0 : i32
      %sign3A_55 = arith.cmpi slt, %jit3A_44, %sign3A_54 : i32
      %sign3A_56 = arith.extui %sign3A_55 : i1 to i32
      %sign3A_57 = arith.subi %sign3A_53, %sign3A_56 : i32
      %ne3A = arith.cmpi ne, %sign3A_50, %sign3A_57 : i32
      %rem3A = arith.remsi %reduce_min3A_43, %jit3A_44 : i32
      %ne3A_58 = arith.constant 0 : i32
      %ne3A_59 = arith.cmpi ne, %rem3A, %ne3A_58 : i32
      %and3A = arith.andi %ne3A, %ne3A_59 : i1
      %sub3A_60 = arith.constant 1 : i32
      %sub3A_61 = arith.subi %div3A, %sub3A_60 : i32
      %select_n3A_62 = arith.select %and3A, %sub3A_61, %div3A : i32
      %mul3A_63 = arith.constant 128 : i32
      %mul3A_64 = arith.muli %select_n3A_62, %mul3A_63 : i32
      %sub3A_65 = arith.subi %reduce_min3A_43, %mul3A_64 : i32
      %mul3A_66 = arith.constant 4 : i32
      %mul3A_67 = arith.muli %select_n3A_62, %mul3A_66 : i32
      %get3A_68 = arith.index_cast %mul3A_67 : i32 to index
      %get3A_69 = arith.constant 0 : index
      %get3A_70 = vector.load %arg0[%get3A_68, %get3A_69] : memref<128x128xf32, #tpu.memory_space<vmem>>, vector<4x128xf32>
      %eq3A_71 = vector.broadcast %sub3A_65 : i32 to vector<4x128xi32>
      %eq3A_72 = arith.cmpi eq, %iota3A_20, %eq3A_71 : vector<4x128xi32>
      %jit3A_73 = arith.constant -1.000000e+30 : f32
      %broadcast_in_dim3A_74 = vector.broadcast %jit3A_73 : f32 to vector<4x128xf32>
      %select_n3A_75 = arith.select %eq3A_72, %get3A_70, %broadcast_in_dim3A_74 : vector<4x128xi1>, vector<4x128xf32>
      %reduce_max3A_76 = arith.constant dense<0xFF800000> : vector<4xf32>
      %reduce_max3A_77 = vector.multi_reduction <maximumf>, %select_n3A_75, %reduce_max3A_76 [1] : vector<4x128xf32> to vector<4xf32>
      %broadcast_in_dim3A_78 = vector.shape_cast %reduce_max3A_77 : vector<4xf32> to vector<4x1xf32>
      %eq3A_79 = arith.constant 0 : i32
      %eq3A_80 = arith.cmpi eq, %scan3A_29, %eq3A_79 : i32
      %select_n3A_81 = arith.select %eq3A_80, %broadcast_in_dim3A_78, %scan3A_31 : vector<4x1xf32>
      %select_n3A_82 = arith.select %eq3A_80, %broadcast_in_dim3A_37, %scan3A_32 : vector<1x1xf32>
      %slice3A = vector.extract_strided_slice %broadcast_in_dim3A_78 {offsets = [0, 0], sizes = [1, 1], strides = [1, 1]} : vector<4x1xf32> to vector<1x1xf32>
      %slice3A_83 = vector.extract_strided_slice %broadcast_in_dim3A_78 {offsets = [1, 0], sizes = [1, 1], strides = [1, 1]} : vector<4x1xf32> to vector<1x1xf32>
      %slice3A_84 = vector.extract_strided_slice %broadcast_in_dim3A_78 {offsets = [2, 0], sizes = [1, 1], strides = [1, 1]} : vector<4x1xf32> to vector<1x1xf32>
      %slice3A_85 = vector.extract_strided_slice %broadcast_in_dim3A_78 {offsets = [3, 0], sizes = [1, 1], strides = [1, 1]} : vector<4x1xf32> to vector<1x1xf32>
      %max3A = vector.broadcast %slice3A : vector<1x1xf32> to vector<32x128xf32>
      %max3A_86 = arith.maximumf %max3A, %get3A_1 : vector<32x128xf32>
      %max3A_87 = vector.broadcast %slice3A_83 : vector<1x1xf32> to vector<32x128xf32>
      %max3A_88 = arith.maximumf %max3A_87, %get3A_4 : vector<32x128xf32>
      %min3A = vector.broadcast %slice3A_84 : vector<1x1xf32> to vector<32x128xf32>
      %min3A_89 = arith.minimumf %min3A, %get3A_7 : vector<32x128xf32>
      %min3A_90 = vector.broadcast %slice3A_85 : vector<1x1xf32> to vector<32x128xf32>
      %min3A_91 = arith.minimumf %min3A_90, %get3A_10 : vector<32x128xf32>
      %sub3A_92 = arith.subf %min3A_89, %max3A_86 : vector<32x128xf32>
      %max3A_93 = arith.constant 0.000000e+00 : f32
      %max3A_94 = vector.broadcast %max3A_93 : f32 to vector<32x128xf32>
      %max3A_95 = arith.maximumf %sub3A_92, %max3A_94 : vector<32x128xf32>
      %sub3A_96 = arith.subf %min3A_91, %max3A_88 : vector<32x128xf32>
      %max3A_97 = arith.constant 0.000000e+00 : f32
      %max3A_98 = vector.broadcast %max3A_97 : f32 to vector<32x128xf32>
      %max3A_99 = arith.maximumf %sub3A_96, %max3A_98 : vector<32x128xf32>
      %mul3A_100 = arith.mulf %max3A_95, %max3A_99 : vector<32x128xf32>
      %sub3A_101 = arith.subf %slice3A_84, %slice3A : vector<1x1xf32>
      %sub3A_102 = arith.subf %slice3A_85, %slice3A_83 : vector<1x1xf32>
      %mul3A_103 = arith.mulf %sub3A_101, %sub3A_102 : vector<1x1xf32>
      %add3A_104 = vector.broadcast %mul3A_103 : vector<1x1xf32> to vector<32x128xf32>
      %add3A_105 = arith.addf %add3A_104, %mul3A_18 : vector<32x128xf32>
      %sub3A_106 = arith.subf %add3A_105, %mul3A_100 : vector<32x128xf32>
      %max3A_107 = arith.constant 9.99999993E-9 : f32
      %max3A_108 = vector.broadcast %max3A_107 : f32 to vector<32x128xf32>
      %max3A_109 = arith.maximumf %sub3A_106, %max3A_108 : vector<32x128xf32>
      %div3A_110 = arith.divf %mul3A_100, %max3A_109 : vector<32x128xf32>
      %gt3A = arith.constant 0.699999988 : f32
      %gt3A_111 = vector.broadcast %gt3A : f32 to vector<32x128xf32>
      %gt3A_112 = arith.cmpf ogt, %div3A_110, %gt3A_111 : vector<32x128xf32>
      %eq3A_113 = vector.broadcast %reduce_min3A_43 : i32 to vector<32x128xi32>
      %eq3A_114 = arith.cmpi eq, %add3A, %eq3A_113 : vector<32x128xi32>
      %or3A = arith.ori %gt3A_112, %eq3A_114 : vector<32x128xi1>
      %jit3A_115 = arith.constant -1.000000e+30 : f32
      %broadcast_in_dim3A_116 = vector.broadcast %jit3A_115 : f32 to vector<32x128xf32>
      %select_n3A_117 = arith.select %or3A, %broadcast_in_dim3A_116, %scan3A_30 : vector<32x128xi1>, vector<32x128xf32>
      %eq3A_118 = arith.constant -1.000000e+30 : f32
      %eq3A_119 = vector.broadcast %eq3A_118 : f32 to vector<1x1xf32>
      %eq3A_120 = arith.cmpf oeq, %broadcast_in_dim3A_37, %eq3A_119 : vector<1x1xf32>
      %broadcast_in_dim3A_121 = vector.shape_cast %eq3A_120 : vector<1x1xi1> to vector<1x1xi1>
      %broadcast_in_dim3A_122 = vector.broadcast %broadcast_in_dim3A_121 : vector<1x1xi1> to vector<4x1xi1>
      %select_n3A_123 = arith.select %broadcast_in_dim3A_122, %select_n3A_81, %broadcast_in_dim3A_78 : vector<4x1xi1>, vector<4x1xf32>
      %select_n3A_124 = arith.select %eq3A_120, %select_n3A_82, %broadcast_in_dim3A_37 : vector<1x1xi1>, vector<1x1xf32>
      %eq3A_125 = arith.constant 0 : i32
      %eq3A_126 = vector.broadcast %eq3A_125 : i32 to vector<1x128xi32>
      %eq3A_127 = arith.cmpi eq, %iota3A_19, %eq3A_126 : vector<1x128xi32>
      %slice3A_128 = vector.extract_strided_slice %select_n3A_123 {offsets = [0, 0], sizes = [1, 1], strides = [1, 1]} : vector<4x1xf32> to vector<1x1xf32>
      %eq3A_129 = arith.constant 1 : i32
      %eq3A_130 = vector.broadcast %eq3A_129 : i32 to vector<1x128xi32>
      %eq3A_131 = arith.cmpi eq, %iota3A_19, %eq3A_130 : vector<1x128xi32>
      %slice3A_132 = vector.extract_strided_slice %select_n3A_123 {offsets = [1, 0], sizes = [1, 1], strides = [1, 1]} : vector<4x1xf32> to vector<1x1xf32>
      %eq3A_133 = arith.constant 2 : i32
      %eq3A_134 = vector.broadcast %eq3A_133 : i32 to vector<1x128xi32>
      %eq3A_135 = arith.cmpi eq, %iota3A_19, %eq3A_134 : vector<1x128xi32>
      %slice3A_136 = vector.extract_strided_slice %select_n3A_123 {offsets = [2, 0], sizes = [1, 1], strides = [1, 1]} : vector<4x1xf32> to vector<1x1xf32>
      %eq3A_137 = arith.constant 3 : i32
      %eq3A_138 = vector.broadcast %eq3A_137 : i32 to vector<1x128xi32>
      %eq3A_139 = arith.cmpi eq, %iota3A_19, %eq3A_138 : vector<1x128xi32>
      %slice3A_140 = vector.extract_strided_slice %select_n3A_123 {offsets = [3, 0], sizes = [1, 1], strides = [1, 1]} : vector<4x1xf32> to vector<1x1xf32>
      %eq3A_141 = arith.constant 4 : i32
      %eq3A_142 = vector.broadcast %eq3A_141 : i32 to vector<1x128xi32>
      %eq3A_143 = arith.cmpi eq, %iota3A_19, %eq3A_142 : vector<1x128xi32>
      %jit3A_144 = arith.constant 0.000000e+00 : f32
      %broadcast_in_dim3A_145 = vector.shape_cast %select_n3A_124 : vector<1x1xf32> to vector<1x1xf32>
      %broadcast_in_dim3A_146 = vector.broadcast %broadcast_in_dim3A_145 : vector<1x1xf32> to vector<1x128xf32>
      %broadcast_in_dim3A_147 = vector.broadcast %jit3A_144 : f32 to vector<1x128xf32>
      %select_n3A_148 = arith.select %eq3A_143, %broadcast_in_dim3A_146, %broadcast_in_dim3A_147 : vector<1x128xi1>, vector<1x128xf32>
      %broadcast_in_dim3A_149 = vector.shape_cast %slice3A_140 : vector<1x1xf32> to vector<1x1xf32>
      %broadcast_in_dim3A_150 = vector.broadcast %broadcast_in_dim3A_149 : vector<1x1xf32> to vector<1x128xf32>
      %select_n3A_151 = arith.select %eq3A_139, %broadcast_in_dim3A_150, %select_n3A_148 : vector<1x128xi1>, vector<1x128xf32>
      %broadcast_in_dim3A_152 = vector.shape_cast %slice3A_136 : vector<1x1xf32> to vector<1x1xf32>
      %broadcast_in_dim3A_153 = vector.broadcast %broadcast_in_dim3A_152 : vector<1x1xf32> to vector<1x128xf32>
      %select_n3A_154 = arith.select %eq3A_135, %broadcast_in_dim3A_153, %select_n3A_151 : vector<1x128xi1>, vector<1x128xf32>
      %broadcast_in_dim3A_155 = vector.shape_cast %slice3A_132 : vector<1x1xf32> to vector<1x1xf32>
      %broadcast_in_dim3A_156 = vector.broadcast %broadcast_in_dim3A_155 : vector<1x1xf32> to vector<1x128xf32>
      %select_n3A_157 = arith.select %eq3A_131, %broadcast_in_dim3A_156, %select_n3A_154 : vector<1x128xi1>, vector<1x128xf32>
      %broadcast_in_dim3A_158 = vector.shape_cast %slice3A_128 : vector<1x1xf32> to vector<1x1xf32>
      %broadcast_in_dim3A_159 = vector.broadcast %broadcast_in_dim3A_158 : vector<1x1xf32> to vector<1x128xf32>
      %select_n3A_160 = arith.select %eq3A_127, %broadcast_in_dim3A_159, %select_n3A_157 : vector<1x128xi1>, vector<1x128xf32>
      %swap3A = arith.index_cast %scan3A_29 : i32 to index
      %swap3A_161 = arith.constant 0 : index
      %swap3A_162 = vector.load %arg6[%swap3A, %swap3A_161] : memref<512x128xf32, #tpu.memory_space<vmem>>, vector<1x128xf32>
      tpu.vector_store %arg6[%swap3A, %swap3A_161], %select_n3A_160 {strides = array<i32>} : memref<512x128xf32, #tpu.memory_space<vmem>>, vector<1x128xf32>,
      scf.yield %select_n3A_117, %select_n3A_81, %select_n3A_82 : vector<32x128xf32>, vector<4x1xf32>, vector<1x1xf32>
    }
    %scan3A_28 = arith.constant 512 : i32
    return
  }
}

</mosaic_0001>

<sc_bundles>
// kernel: kernel.5.cloned.1.call-start
scs
__scs_entry_jumppad:
0x0: {  	(pc) =	sbr.rel $0x88, $3  }
0x1: {  	(tag) =	ssettag $0x0;
	lr =	simm.s32 $0x1  }
0x2: {  	[smem:$0x3F9F] =	sst lr;
	_ =	strace $0xD0000000  }
0x3: {  	_ = 	snop  }
0x4: {  	_ = 	snop  }
0x5: {  	_ = 	snop  }
0x6: {  	_ = 	snop  }
0x7: {  	_ = 	snop  }
__scs_overlays_trampoline_lowered:
0x8: {  	[smem:$0x3FAE] =	sst s0  }
0x9: {  	[smem:$0x3FAF] =	sst s1  }
0xa: {  	[smem:$0x3FB0] =	sst s2  }
0xb: {  	[smem:$0x3FB1] =	sst s3  }
0xc: {  	[smem:$0x3FB2] =	sst s4  }
0xd: {  	[smem:$0x3FB3] =	sst s5  }
0xe: {  	[smem:$0x3FB4] =	sst s6  }
0xf: {  	[smem:$0x3FB5] =	sst s7  }
0x10: {  	[smem:$0x3FB6] =	sst s8  }
0x11: {  	[smem:$0x3FB7] =	sst s9;
	s0 =	simm.s32 @!p0 $0x0  }
0x12: {  	s1 =	sld [smem:$0x3F9D];
	s0 =	simm.s32 @p0 $0x1  }
0x13: {  	[smem:$0x3FB8] =	sst s0;
	s0 =	simm.s32 @!p1 $0x0  }
0x14: {  	s2 =	sld [smem:$0x3F9C];
	s0 =	simm.s32 @p1 $0x1  }
0x15: {  	[smem:$0x3FB9] =	sst s0;
	s0 =	simm.s32 @!p2 $0x0  }
0x16: {  	s3 =	sld [smem:$0x3FDB];
	s0 =	simm.s32 @p2 $0x1  }
0x17: {  	s4 =	simm.s32 $0x1BF5;
	[smem:$0x3FBB] =	sst s0  }
0x18: {  	s0 =	sld [smem:$0x3F9E];
	_ =	swait.ge [sflag:s4], $0x0  }
0x19: {  	s7 =	sld [smem:$0x3F9F]  }
0x1a: {  	s8 =	sadd.s32 $0xFFFFE003, lr  }
0x1b: {  	s9 =	sadd.s32 $0xFFFFFEF7, lr;
	s5 =	simm.s32 $0xFFFFFFFF;
	p2 =	slt.u32 s8, $0xFFFFF086  }
0x1c: {  	p1 =	slt.u32 s9, $0xF7A;
	s5 =	simm.s32 @!p2 $0x0  }
0x1d: {  	s5 =	simm.s32 @p1 $0x1;
	p0 =	seq.s32 s7, s2  }
0x1e: {  	s7 =	smul.u32 @!p0 $0xF7A, s2;
	p2 =	seq.s32 @!p0 s5, $0x0  }
0x1f: {  	s9 =	smul.u32 $0xF7A, s1;
	s8 =	simm.s32 @!p0 $0x1BF5;
	p2 =	por !p2, p0  }
0x20: {  	[sflag:s8] =	ssyncset.s32 @!p0 $0xFFFFF086;
	s6 =	sadd.s32 @!p0 s3, s7;
	s7 =	simm.s32 @!p0 $0x108  }
0x21: {  	s3 =	sadd.s32 s3, s9;
	s6 =	sadd.s32 @!p0 $0x88, s6;
	s7 =	simm.s32 @p2 $0x1082  }
0x22: {  	[simem:s7], [sflag:s8] =	dma.local @!p0 [hbm:s6], $0xF7A  }
0x23: {  	s9 =	sor.u32 $0xD0000000, s2;
	s6 =	simm.s32 $0x108;
	_ =	swait.ge @!p0 [sflag:s8], $0x0  }
0x24: {  	s3 =	sadd.s32 $0x88, s3;
	s6 =	simm.s32 @!p1 $0x1082;
	[sflag:s4] =	ssyncset.s32 $0xFFFFF086  }
0x25: {  	[simem:s6], [sflag:s4] =	dma.local [hbm:s3], $0xF7A  }
0x26: {  	[smem:$0x3F9F] =	sst s1;
	(tag) =	ssettag s2;
	_ =	strace s9  }
0x27: {  	s1 =	sld [smem:$0x3FAF]  }
0x28: {  	s2 =	sld [smem:$0x3FB0]  }
0x29: {  	s4 =	sld [smem:$0x3FB2]  }
0x2a: {  	p0 =	seq.s32 s5, $0x0;
	s5 =	sld [smem:$0x3FB3]  }
0x2b: {  	s6 =	sld [smem:$0x3FB4]  }
0x2c: {  	s7 =	sld [smem:$0x3FB5]  }
0x2d: {  	s3 =	simm.s32 $0x108;
	s8 =	sld [smem:$0x3FB6]  }
0x2e: {  	s3 =	simm.s32 @!p0 $0x1082;
	s9 =	sld [smem:$0x3FB7]  }
0x2f: {  	lr =	sadd.s32 s0, s3;
	s0 =	sld [smem:$0x3FAE]  }
0x30: {  	s3 =	sld [smem:$0x3FB1]  }
0x31: {  	[smem:$0x3FBA] =	sst s10  }
0x32: {  	s10 =	sld [smem:$0x3FB8];
	_ =	sdelay $0x3  }
0x33: {  	p0 =	seq.s32 s10, $0x1;
	s10 =	sld [smem:$0x3FBA];
	_ =	sdelay $0x3  }
0x34: {  	[smem:$0x3FBA] =	sst s10  }
0x35: {  	s10 =	sld [smem:$0x3FB9];
	_ =	sdelay $0x3  }
0x36: {  	p1 =	seq.s32 s10, $0x1;
	s10 =	sld [smem:$0x3FBA];
	_ =	sdelay $0x3  }
0x37: {  	[smem:$0x3FBA] =	sst s10  }
0x38: {  	s10 =	sld [smem:$0x3FBB]  }
0x39: {  	_ = 	snop;
	(pc) =	sbr.ind lr, $3  }
0x3a: {  	_ = 	snop  }
0x3b: {  	_ = 	snop  }
0x3c: {  	p2 =	seq.s32 s10, $0x1;
	s10 =	sld [smem:$0x3FBA]  }
0x3d: {  	_ =	shalt  }
0x3e: {  	_ =	shalt  }
0x3f: {  	_ =	shalt  }
0x40: {  	_ =	shalt  }
0x41: {  	_ =	shalt  }
0x42: {  	_ =	shalt  }
0x43: {  	_ =	shalt  }
0x44: {  	_ =	shalt  }
0x45: {  	_ =	shalt  }
0x46: {  	_ =	shalt  }
0x47: {  	_ =	shalt  }
0x48: {  	_ =	shalt  }
0x49: {  	_ =	shalt  }
0x4a: {  	_ =	shalt  }
0x4b: {  	_ =	shalt  }
0x4c: {  	_ =	shalt  }
0x4d: {  	_ =	shalt  }
0x4e: {  	_ =	shalt  }
0x4f: {  	_ =	shalt  }
0x50: {  	_ =	shalt  }
0x51: {  	_ =	shalt  }
0x52: {  	_ =	shalt  }
0x53: {  	_ =	shalt  }
0x54: {  	_ =	shalt  }
0x55: {  	_ =	shalt  }
0x56: {  	_ =	shalt  }
0x57: {  	_ =	shalt  }
0x58: {  	_ =	shalt  }
0x59: {  	_ =	shalt  }
0x5a: {  	_ =	shalt  }
0x5b: {  	_ =	shalt  }
0x5c: {  	_ =	shalt  }
0x5d: {  	_ =	shalt  }
0x5e: {  	_ =	shalt  }
0x5f: {  	_ =	shalt  }
0x60: {  	_ =	shalt  }
0x61: {  	_ =	shalt  }
0x62: {  	_ =	shalt  }
0x63: {  	_ =	shalt  }
0x64: {  	_ =	shalt  }
0x65: {  	_ =	shalt  }
0x66: {  	_ =	shalt  }
0x67: {  	_ =	shalt  }
0x68: {  	_ =	shalt  }
0x69: {  	_ =	shalt  }
0x6a: {  	_ =	shalt  }
0x6b: {  	_ =	shalt  }
0x6c: {  	_ =	shalt  }
0x6d: {  	_ =	shalt  }
0x6e: {  	_ =	shalt  }
0x6f: {  	_ =	shalt  }
0x70: {  	_ =	shalt  }
0x71: {  	_ =	shalt  }
0x72: {  	_ =	shalt  }
0x73: {  	_ =	shalt  }
0x74: {  	_ =	shalt  }
0x75: {  	_ =	shalt  }
0x76: {  	_ =	shalt  }
0x77: {  	_ =	shalt  }
0x78: {  	_ =	shalt  }
0x79: {  	_ =	shalt  }
0x7a: {  	_ =	shalt  }
0x7b: {  	_ =	shalt  }
0x7c: {  	_ =	shalt  }
0x7d: {  	_ =	shalt  }
0x7e: {  	_ =	shalt  }
0x7f: {  	_ =	shalt  }
0x80: {  	_ =	shalt  }
0x81: {  	_ =	shalt  }
0x82: {  	_ =	shalt  }
0x83: {  	_ =	shalt  }
0x84: {  	_ =	shalt  }
0x85: {  	_ =	shalt  }
0x86: {  	_ =	shalt  }
0x87: {  	_ =	shalt  }
.Lfunc_end0:
.L_simem_size_0:
called_computation_lowered:
.L_overlay_start_0:
0x88: {  	s2 =	sld [smem:$0x3FD9]  }
0x89: {  	s3 =	sld [smem:$0x3FFE];
	_ =	sdelay $0x1  }
0x8a: {  	s1 =	srdreg.scid  }
0x8b: {  	s0 =	sand.u32 $0x1, s1  }
0x8c: {  	s16 =	sshll.u32 s0, $0xA;
	s2 =	sadd.s32 s3, s2  }
0x8d: {  	s2 =	sadd.s32 s2, s16  }
0x8e: {  	[smem:$0x3FC6] =	sst s2  }
0x8f: {  	_ = 	snop  }
0x90: {  	(tm) =	ssettm $0x1  }
0x91: {  	s17 =	sld [smem:$0x3FFB];
	_ =	sdelay $0x3  }
0x92: {  	_ =	strace s17  }
0x93: {  	s2 =	sld [smem:$0x3FFC];
	_ =	sdelay $0x3  }
0x94: {  	_ =	strace s2  }
0x95: {  	s2 =	sld [smem:$0x3FFD];
	_ =	sdelay $0x3  }
0x96: {  	_ =	strace s2  }
0x97: {  	_ =	strace $0x8FFFFFFF  }
0x98: {  	s18 =	sld [smem:$0x3FDB];
	_ =	sdelay $0x1  }
0x99: {  	s19 =	simm.s32 $_scs_section_size  }
0x9a: {  	s4 =	simm.s32 $_size__tile_overlayer_lowered;
	s5 =	simm.s32 $_tile_overlayer_lowered  }
0x9b: {  	s22 =	simm.s32 $0x1BFF;
	s21 =	sshll.u32 s5, $0x1;
	s2 =	sadd.s32 s19, s18  }
0x9c: {  	s6 =	simm.s32 $0x0;
	s20 =	sshll.u32 s4, $0x1;
	s4 =	sadd.s32 s21, s2  }
0x9d: {  	[timem:s6], [sflag:s22] =	dma.local [hbm:s4], s20  }
0x9e: {  	_ =	swait.ge [sflag:s22], s20  }
0x9f: {  	s3 =	ssub.s32 $0x0, s20;
	[sflag:s22] =	ssyncset.done $0x0  }
0xa0: {  	[sflag:s22] =	ssyncadd.s32 s3;
	_ =	sdelay $0x1  }
0xa1: {  	s23 =	simm.s32 $0x1B8B  }
0xa2: {  	_ =	swait.ge [sflag:s23], $0x1  }
0xa3: {  	[sflag:s23] =	ssyncset.done $0x0  }
0xa4: {  	s25 =	simm.s32 $0x1B8E;
	s24 =	sld [smem:$0x3FFE];
	[sflag:s23] =	ssyncadd.s32 $0xFFFFFFFF  }
0xa5: {  	s26 =	simm.s32 $execute0_lowered;
	[smem:$0x3FD2] =	sst s25  }
0xa6: {  	s4 =	sshll.u32 s26, $0x1;
	_ =	strace $0x80000046;
	[dreg:$0x1] =	wrdreg $0xFFFFFFFF  }
0xa7: {  	s28 =	simm.s32 $_size_execute0_lowered;
	s2 =	sadd.s32 s2, s4;
	[dreg:$0x0] =	wrdreg $0x0  }
0xa8: {  	s4 =	sshll.u32 s28, $0x1;
	[dreg:$0x2] =	wrdreg s2  }
0xa9: {  	[dreg:$0x3] =	wrdreg s4  }
0xaa: {  	[dreg:$0x4] =	wrdreg $0xC0  }
0xab: {  	_ =	task [dreg:s6], $0x5FFFF  }
0xac: {  	[dreg:$0x1] =	wrdreg $0xFFFFFFFF  }
0xad: {  	[dreg:$0x0] =	wrdreg $0x60  }
0xae: {  	[dreg:$0x2] =	wrdreg s24  }
0xaf: {  	[dreg:$0x3] =	wrdreg $0x9  }
0xb0: {  	_ =	task.clear_ibuf [dreg:s6], $0x4FFFF;
	_ =	strace $0x90000046  }
0xb1: {  	s29 =	simm.s32 $0x9;
	_ =	strace $0x80000048  }
0xb2: {  	_ =	swait.ge [sflag:s29], $0x1  }
0xb3: {  	[sflag:s29] =	ssyncadd.s32 $0xFFFFFFFF  }
0xb4: {  	_ =	strace $0x90000048  }
0xb5: {  	_ =	sfence  }
0xb6: {  	s30 =	sld [smem:$0x0];
	_ =	sdelay $0x2  }
0xb7: {  	s31 =	sshll.u32 s1, $0xD;
	s1 =	sshrl.u32 s1, $0x2  }
0xb8: {  	s3 =	sand.u32 $0x4000, s31;
	s1 =	sadd.s32 s1, s30  }
0xb9: {  	s0 =	sor.u32 s3, s0;
	s1 =	sshll.u32 s1, $0x11  }
0xba: {  	s0 =	sor.u32 s1, s0  }
0xbb: {  	s0 =	sadd.s32 $0x8F2B, s0  }
0xbc: {  	[sflag:s0] =	ssyncadd.remote.s32 $0x1  }
0xbd: {  	_ =	sfence.sel $0xFFFF  }
0xbe: {  	[dreg:$0x0] =	wrdreg $0xFFFFFFFF;
	(pc) =	sbr.abs _section_cstart, $3  }
0xbf: {  	[dreg:$0x1] =	wrdreg $0xFFFFFFFF  }
0xc0: {  	_ =	task.clear_ibuf [dreg:s6], $0x2FFFF;
	_ =	strace $0x9FFFFFFF  }
0xc1: {  	(tm) =	ssettm $0x7FFFFFFF  }
tec
execute0_lowered:
.L_overlay_start_1:
0x0: {  	(tag) =	ssettag $0x1  }
0x1: {  	s0 =	srdreg.scid  }
0x2: {  	s17 =	sand.u32 $0x1, s0  }
0x3: {  	s0 =	stileid.u32;
	s1 =	sshll.u32 s17, $0x4  }
0x4: {  	s3 =	sor.u32 s0, s1  }
0x5: {  	s7 =	rddreg [dreg:$0x0];
	s2 =	simm.s32 $0x0;
	s4 =	smul.u32 $0x50, s3  }
0x6: {  	[smem:$0x7FF] =	sst s2  }
0x7: {  	s1 =	rddreg [dreg:$0x1];
	_ =	strace $0x80000047;
	s4 =	sadd.s32 s4, s7  }
0x8: {  	s5 =	smul.u32 $0x280, s3;
	s3 =	sadd.s32 $0x5600, s4;
	s4 =	simm.s32 $0x2  }
0x9: {  	[tilespmem:s2], [sflag:$0x2] =	stream.linear.gather [hbm4b:s3+s2], $0x280, $0x38;
	[tilespmem:$0x1680] =	vst v63  }
0xa: {  	_ =	swait.ge [sflag:s4], $0x280  }
0xb: {  	s5 =	sadd.s32 s5, s7;
	[sflag:s4] =	ssyncset.done $0x0  }
0xc: {  	s6 =	simm.s32 $0x280;
	s5 =	sadd.s32 $0x600, s5;
	[sflag:s4] =	ssyncadd.s32 $0xFFFFFD80  }
0xd: {  	[tilespmem:s6], [sflag:$0x2] =	stream.linear.gather [hbm4b:s5+s2], $0x1400, $0x38;
	[tilespmem:$0x1680] =	vst v63  }
0xe: {  	_ =	swait.ge [sflag:s4], $0x1400  }
0xf: {  	[sflag:s4] =	ssyncset.done $0x0  }
0x10: {  	s8 =	simm.s32 $0x80;
	s7 =	sadd.s32 $0x6000, s7;
	[sflag:s4] =	ssyncadd.s32 $0xFFFFEC00  }
0x11: {  	[hbm4b:s7+s8] =	stream.indirect.scatter [tilespmem:s6], [sflag:$0x1], $0x8, s2, s8, $0xb8;
	[tilespmem:$0x1680] =	vst v63  }
0x12: {  	s9 =	simm.s32 $0x680  }
0x13: {  	[hbm4b:s7+s8] =	stream.indirect.scatter [tilespmem:s9], [sflag:$0x1], $0x8, s8, s8, $0xb8;
	[tilespmem:$0x1680] =	vst v63  }
0x14: {  	s10 =	simm.s32 $0x100;
	s11 =	simm.s32 $0xA80  }
0x15: {  	[hbm4b:s7+s8] =	stream.indirect.scatter [tilespmem:s11], [sflag:$0x1], $0x8, s10, s8, $0xb8;
	[tilespmem:$0x1680] =	vst v63  }
0x16: {  	s12 =	simm.s32 $0x180;
	s13 =	simm.s32 $0xE80  }
0x17: {  	[hbm4b:s7+s8] =	stream.indirect.scatter [tilespmem:s13], [sflag:$0x1], $0x8, s12, s8, $0xb8;
	[tilespmem:$0x1680] =	vst v63  }
0x18: {  	s14 =	simm.s32 $0x200;
	s16 =	simm.s32 $0x1280;
	s15 =	simm.s32 $0x1  }
0x19: {  	[hbm4b:s7+s8] =	stream.indirect.scatter [tilespmem:s16], [sflag:$0x1], $0x8, s14, s8, $0xb8;
	[tilespmem:$0x1680] =	vst v63  }
0x1a: {  	_ =	swait.ge [sflag:s15], $0x400  }
0x1b: {  	[sflag:s15] =	ssyncset.done $0x0  }
0x1c: {  	[sflag:s15] =	ssyncadd.s32 $0xFFFFFC00  }
0x1d: {  	_ =	swait.ge [sflag:s15], $0x400  }
0x1e: {  	s17 =	ssub.s32 $0x2, s17;
	[sflag:s15] =	ssyncset.done $0x0  }
0x1f: {  	s18 =	sshrl.u32 s17, $0x1;
	[sflag:s15] =	ssyncadd.s32 $0xFFFFFC00  }
0x20: {  	s17 =	ssub.s32 s17, s18;
	_ =	swait.ge [sflag:s15], $0x400  }
0x21: {  	s17 =	smax.u32 s17, $0x1;
	[sflag:s15] =	ssyncset.done $0x0  }
0x22: {  	p0 =	sne.s32 s17, $0x1;
	[sflag:s15] =	ssyncadd.s32 $0xFFFFFC00  }
.Ltmp0:
0x23: {  	_ =	swait.ge [sflag:s15], $0x400;
	(pc) =	sbr.rel @!p0 .LBB2_2-.Ltmp0, $4  }
0x24: {  	[sflag:s15] =	ssyncset.done $0x0  }
0x25: {  	[sflag:s15] =	ssyncadd.s32 $0xFFFFFC00  }
0x26: {  	_ =	swait.ge [sflag:s15], $0x400  }
0x27: {  	s17 =	sadd.s32 $0xFFFFFFFF, s17;
	[sflag:s15] =	ssyncset.done $0x0  }
.LBB2_1:
0x28: {  	p0 =	sne.s32 s17, $0x1;
	s17 =	sadd.s32 $0xFFFFFFFF, s17;
	[sflag:s15] =	ssyncadd.s32 $0xFFFFFC00  }
0x29: {  	[tilespmem:s2], [sflag:$0x2] =	stream.linear.gather [hbm4b:s3+s2], $0x280, $0x38;
	[tilespmem:$0x1680] =	vst v63  }
0x2a: {  	_ =	swait.ge [sflag:s4], $0x280  }
0x2b: {  	[sflag:s4] =	ssyncset.done $0x0  }
0x2c: {  	[sflag:s4] =	ssyncadd.s32 $0xFFFFFD80  }
0x2d: {  	[tilespmem:s6], [sflag:$0x2] =	stream.linear.gather [hbm4b:s5+s2], $0x1400, $0x38;
	[tilespmem:$0x1680] =	vst v63  }
0x2e: {  	_ =	swait.ge [sflag:s4], $0x1400  }
0x2f: {  	[sflag:s4] =	ssyncset.done $0x0  }
0x30: {  	[sflag:s4] =	ssyncadd.s32 $0xFFFFEC00  }
0x31: {  	[hbm4b:s7+s8] =	stream.indirect.scatter [tilespmem:s6], [sflag:$0x1], $0x8, s2, s8, $0xb8;
	[tilespmem:$0x1680] =	vst v63  }
0x32: {  	_ = 	snop  }
0x33: {  	[hbm4b:s7+s8] =	stream.indirect.scatter [tilespmem:s9], [sflag:$0x1], $0x8, s8, s8, $0xb8;
	[tilespmem:$0x1680] =	vst v63  }
0x34: {  	_ = 	snop  }
0x35: {  	[hbm4b:s7+s8] =	stream.indirect.scatter [tilespmem:s11], [sflag:$0x1], $0x8, s10, s8, $0xb8;
	[tilespmem:$0x1680] =	vst v63  }
0x36: {  	_ = 	snop  }
0x37: {  	[hbm4b:s7+s8] =	stream.indirect.scatter [tilespmem:s13], [sflag:$0x1], $0x8, s12, s8, $0xb8;
	[tilespmem:$0x1680] =	vst v63  }
0x38: {  	_ = 	snop  }
0x39: {  	[hbm4b:s7+s8] =	stream.indirect.scatter [tilespmem:s16], [sflag:$0x1], $0x8, s14, s8, $0xb8;
	[tilespmem:$0x1680] =	vst v63  }
0x3a: {  	_ =	swait.ge [sflag:s15], $0x400  }
0x3b: {  	[sflag:s15] =	ssyncset.done $0x0  }
0x3c: {  	[sflag:s15] =	ssyncadd.s32 $0xFFFFFC00  }
0x3d: {  	_ =	swait.ge [sflag:s15], $0x400  }
0x3e: {  	[sflag:s15] =	ssyncset.done $0x0  }
0x3f: {  	[sflag:s15] =	ssyncadd.s32 $0xFFFFFC00  }
0x40: {  	_ =	swait.ge [sflag:s15], $0x400  }
0x41: {  	[sflag:s15] =	ssyncset.done $0x0  }
0x42: {  	[sflag:s15] =	ssyncadd.s32 $0xFFFFFC00  }
.Ltmp1:
0x43: {  	_ =	swait.ge [sflag:s15], $0x400;
	(pc) =	sbr.rel @p0 .LBB2_1-.Ltmp1, $4  }
0x44: {  	[sflag:s15] =	ssyncset.done $0x0  }
0x45: {  	[sflag:s15] =	ssyncadd.s32 $0xFFFFFC00  }
0x46: {  	_ =	swait.ge [sflag:s15], $0x400  }
0x47: {  	[sflag:s15] =	ssyncset.done $0x0  }
.LBB2_2:
0x48: {  	[sflag:s15] =	ssyncadd.s32 $0xFFFFFC00  }
0x49: {  	_ =	sfence.sel $0x180000  }
0x4a: {  	[bflag:$0x0] =	sbarrier.arrive $0xFFFF  }
0x4b: {  	p0 =	sne.s32 s0, $0x0;
	_ =	strace $0x90000047  }
0x4c: {  	s0 =	sadd.s32 @!p0 $0x100000, s1;
	[bflag:$0x2] =	sbarrier.arrive $0xFFFF  }
0x4d: {  	[sflag:s0] =	ssyncadd.tile.s32 @!p0 $0x1;
	_ =	shalt  }
.Lfunc_end2:
_tile_overlayer_lowered:
.L_overlay_start_2:
0x4e: {  	(tag) =	ssettag $0x2  }
0x4f: {  	s0 =	rddreg [dreg:$0x0];
	s2 =	stileid.u32  }
0x50: {  	s1 =	rddreg [dreg:$0x1];
	p0 =	sne.s32 s2, $0x0  }
0x51: {  	s3 =	rddreg [dreg:$0x2];
	[bflag:$0x3] =	sbarrier.arrive $0xFFFF;
	s2 =	simm.s32 @!p0 $0x1C02  }
0x52: {  	[timem:s3], [sflag:s2] =	dma.local @!p0 [hbm:s0], s1  }
0x53: {  	s0 =	simm.s32 @!p0 $0x2  }
0x54: {  	_ =	swait.ge @!p0 [sflag:s0], s1  }
0x55: {  	s1 =	ssub.s32 @!p0 $0x0, s1;
	[sflag:s0] =	ssyncset.done @!p0 $0x0  }
0x56: {  	[sflag:s0] =	ssyncadd.s32 @!p0 s1  }
0x57: {  	[bflag:$0x3] =	sbarrier.arrive $0xFFFF  }
0x58: {  	_ =	shalt  }

</sc_bundles>
